<compile_context>
chip_gen: v7x
topology: tpu7x:2x2x1
jax: 0.10.2.dev20260603
libtpu: 0.0.44.dev20260713+nightly
codegen_flags: <defaults>
</compile_context>

<pallas_src>
import functools

import jax
import jax.numpy as jnp
from jax import lax
from jax.experimental import pallas as pl
from jax.experimental.pallas import tpu as pltpu
from jax.experimental.pallas import tpu_sc as plsc


def _sc_gather(x2, c16, gidx, C):
    info = plsc.get_sparse_core_info()
    NW = info.num_cores * info.num_subcores
    R = gidx.shape[0]
    rpw = R // NW
    G = 32
    n_chunks = rpw // G
    mesh = plsc.VectorSubcoreMesh(core_axis_name="c", subcore_axis_name="s")

    @functools.partial(
        pl.kernel,
        mesh=mesh,
        out_type=(
            jax.ShapeDtypeStruct((R, C), jnp.float32),
            jax.ShapeDtypeStruct((R, 128), jnp.float32),
        ),
        scratch_types=[
            pltpu.VMEM((G,), jnp.int32),
            pltpu.VMEM((G, C), jnp.float32),
            pltpu.VMEM((G, 128), jnp.float32),
            pltpu.SemaphoreType.DMA,
            pltpu.SemaphoreType.DMA,
        ],
    )
    def k(x_hbm, c_hbm, idx_hbm, xs_hbm, cs_hbm, idx_v, rows_v, crows_v,
          sx, sc):
        wid = lax.axis_index("s") * info.num_cores + lax.axis_index("c")
        base = wid * rpw

        def body(ci, _):
            off = base + ci * G
            pltpu.sync_copy(idx_hbm.at[pl.ds(off, G)], idx_v)
            cx = pltpu.async_copy(x_hbm.at[idx_v], rows_v, sx)
            cc = pltpu.async_copy(c_hbm.at[idx_v], crows_v, sc)
            cx.wait()
            cc.wait()
            pltpu.sync_copy(rows_v, xs_hbm.at[pl.ds(off, G)])
            pltpu.sync_copy(crows_v, cs_hbm.at[pl.ds(off, G)])
            return 0

        lax.fori_loop(0, n_chunks, body, 0)

    return k(x2, c16, gidx)


def _tc_pool_proj(xs, cs, W, bias, gamma, beta):
    M = xs.shape[0] // 2
    C = xs.shape[1]
    D = W.shape[1]
    BM = 256
    nb = M // BM

    def body(e_ref, o_ref, ce_ref, co_ref, w_ref, b_ref, g_ref, be_ref,
             h_ref, cp_ref):
        xm = jnp.maximum(e_ref[...], o_ref[...])
        h = jnp.dot(xm, w_ref[...],
                    preferred_element_type=jnp.float32,
                    precision=lax.Precision.HIGHEST)
        h = h + b_ref[...]
        mean = jnp.mean(h, axis=1, keepdims=True)
        var = jnp.mean((h - mean) ** 2, axis=1, keepdims=True)
        hn = (h - mean) * lax.rsqrt(var + 1e-6)
        h_ref[...] = hn * g_ref[...] + be_ref[...]
        cp_ref[...] = (ce_ref[...] + co_ref[...]) * 0.5

    return pl.pallas_call(
        body,
        grid=(nb,),
        in_specs=[
            pl.BlockSpec((BM, C), lambda i: (i, 0)),
            pl.BlockSpec((BM, C), lambda i: (i + nb, 0)),
            pl.BlockSpec((BM, 128), lambda i: (i, 0)),
            pl.BlockSpec((BM, 128), lambda i: (i + nb, 0)),
            pl.BlockSpec((C, D), lambda i: (0, 0)),
            pl.BlockSpec((1, D), lambda i: (0, 0)),
            pl.BlockSpec((1, D), lambda i: (0, 0)),
            pl.BlockSpec((1, D), lambda i: (0, 0)),
        ],
        out_specs=[
            pl.BlockSpec((BM, D), lambda i: (i, 0)),
            pl.BlockSpec((BM, 128), lambda i: (i, 0)),
        ],
        out_shape=[
            jax.ShapeDtypeStruct((M, D), jnp.float32),
            jax.ShapeDtypeStruct((M, 128), jnp.float32),
        ],
    )(xs, xs, cs, cs, W, bias, gamma, beta)


def kernel(x, coords, W, b, gamma, beta):
    B, N, C = x.shape
    D = W.shape[1]
    N_out = N // 2
    M = B * N_out

    eta = coords[..., 0]
    sort_idx = jnp.argsort(eta, axis=1).astype(jnp.int32)
    gi = sort_idx + (jnp.arange(B, dtype=jnp.int32) * N)[:, None]
    gidx = jnp.concatenate(
        [gi[:, 0::2].reshape(-1), gi[:, 1::2].reshape(-1)])

    x2 = x.reshape(B * N, C)
    c16 = jnp.concatenate(
        [coords.reshape(B * N, 2),
         jnp.zeros((B * N, 126), dtype=jnp.float32)], axis=1)

    xs, cs = _sc_gather(x2, c16, gidx, C)

    h, cp = _tc_pool_proj(xs, cs, W, b.reshape(1, D),
                          gamma.reshape(1, D), beta.reshape(1, D))
    return (h.reshape(B, N_out, D), cp[:, :2].reshape(B, N_out, 2))

# --- scband reference (transcript-rebuilt; emitter-appended) ---
"""Pipeline reference for scband-geometric-pooling-12086037971118 (READ-ONLY COPY).

The authoritative reference and input builder live on the scoring server;
editing this copy changes nothing except your own understanding.
"""

import jax, jax.numpy as jnp
import numpy as np

B, N, C, D, STRIDE = 4, 8192, 768, 256, 2

def setup_inputs(seed: int = 0) -> dict:
    key = jax.random.key(seed)
    k1, k2, k3 = jax.random.split(key, 3)
    x = jax.random.normal(k1, (B, N, C), dtype=jnp.float32)
    coords = jax.random.normal(k2, (B, N, 2), dtype=jnp.float32)
    W = jax.random.normal(k3, (C, D), dtype=jnp.float32) * 0.02
    b = jnp.zeros((D,), dtype=jnp.float32)
    gamma = jnp.ones((D,), dtype=jnp.float32)
    beta = jnp.zeros((D,), dtype=jnp.float32)
    return {"x": x, "coords": coords, "W": W, "b": b, "gamma": gamma, "beta": beta}

def reference(x, coords, W, b, gamma, beta):
    stride = STRIDE
    Bv, Nv, Cv = x.shape
    eta = coords[..., 0]
    sort_idx = jnp.argsort(eta, axis=1)
    x_sorted = jnp.take_along_axis(x, sort_idx[..., None], axis=1)
    coords_sorted = jnp.take_along_axis(coords, sort_idx[..., None], axis=1)
    # N % stride == 0 here, so no padding branch is taken
    N_out = Nv // stride
    x_grouped = x_sorted.reshape(Bv, N_out, stride, Cv)
    coords_grouped = coords_sorted.reshape(Bv, N_out, stride, 2)
    x_pooled = jnp.max(x_grouped, axis=2)
    coords_pooled = jnp.mean(coords_grouped, axis=2)
    h = x_pooled @ W + b
    mean = jnp.mean(h, axis=-1, keepdims=True)
    var = jnp.var(h, axis=-1, keepdims=True)
    h = (h - mean) / jnp.sqrt(var + 1e-6)
    h = h * gamma + beta
    return (h, coords_pooled)

if __name__ == "__main__":
    import jax
    _d = setup_inputs()
    print(jax.jit(kernel)(*tuple(_d.values())))

</pallas_src>

<mosaic_0001>
#map = affine_map<(d0, d1) -> (0, 0)>
#map1 = affine_map<(d0, d1) -> (0)>
module attributes {stable_mosaic.version = 14 : i64} {
  func.func @k(%arg0: i32, %arg1: i32, %arg2: memref<32768x768xf32, #tpu.memory_space<hbm>>, %arg3: memref<32768x128xf32, #tpu.memory_space<hbm>>, %arg4: memref<32768xi32, #tpu.memory_space<hbm>>, %arg5: memref<32768x768xf32, #tpu.memory_space<hbm>>, %arg6: memref<32768x128xf32, #tpu.memory_space<hbm>>, %arg7: memref<32xi32, #tpu.memory_space<vmem>>, %arg8: memref<32x768xf32, #tpu.memory_space<vmem>>, %arg9: memref<32x128xf32, #tpu.memory_space<vmem>>, %arg10: memref<!tpu.dma_semaphore, #tpu.memory_space<semaphore_mem>>, %arg11: memref<!tpu.dma_semaphore, #tpu.memory_space<semaphore_mem>>) attributes {dimension_semantics = [#tpu.dimension_semantics<core_parallel>, #tpu.dimension_semantics<subcore_parallel>], iteration_bounds = array<i64: 2, 16>, scalar_prefetch = 0 : i64, scratch_operands = 5 : i64, tpu.core_type = #tpu.core_type<sc_vector_subcore>, window_params = [{transform_indices = #map}, {transform_indices = #map}, {transform_indices = #map1}, {transform_indices = #map}, {transform_indices = #map}]} {
    %mul3A = arith.constant 2 : i32
    %mul3A_0 = arith.muli %arg1, %mul3A : i32
    %add3A = arith.addi %mul3A_0, %arg0 : i32
    %mul3A_1 = arith.constant 1024 : i32
    %mul3A_2 = arith.muli %add3A, %mul3A_1 : i32
    %scan3A = arith.constant 0 : i32
    %scan3A_3 = arith.constant 0 : i32
    %scan3A_4 = arith.constant 32 : i32
    %scan3A_5 = arith.addi %scan3A_3, %scan3A_4 : i32
    %scan3A_6 = arith.constant 1 : i32
    %scan3A_7 = scf.for %scan3A_9 = %scan3A_3 to %scan3A_5 step %scan3A_6 iter_args(%scan3A_10 = %scan3A) -> (i32)  : i32 {
      %mul3A_11 = arith.constant 32 : i32
      %mul3A_12 = arith.muli %scan3A_9, %mul3A_11 : i32
      %add3A_13 = arith.addi %mul3A_2, %mul3A_12 : i32
      "tpu.region"() ({
        %run_scoped3A = tpu.sem_alloc : memref<!tpu.dma_semaphore, #tpu.memory_space<semaphore_mem>>
        %dma_start3A_25 = tpu.memref_slice %arg4[%add3A_13] : memref<32768xi32, #tpu.memory_space<hbm>> -> memref<32xi32, #tpu.memory_space<hbm>>
        %dma_start3A_26 = tpu.memref_slice %arg4[%add3A_13] : memref<32768xi32, #tpu.memory_space<hbm>> -> memref<32xi32, #tpu.memory_space<hbm>>
        tpu.enqueue_dma source(%dma_start3A_26 : memref<32xi32, #tpu.memory_space<hbm>>) target(%arg7 : memref<32xi32, #tpu.memory_space<vmem>>) target_semaphore(%run_scoped3A : memref<!tpu.dma_semaphore, #tpu.memory_space<semaphore_mem>>)
        %dma_wait3A_27 = tpu.memref_slice %arg4[%add3A_13] : memref<32768xi32, #tpu.memory_space<hbm>> -> memref<32xi32, #tpu.memory_space<hbm>>
        %dma_wait3A_28 = tpu.memref_slice %arg4[%add3A_13] : memref<32768xi32, #tpu.memory_space<hbm>> -> memref<32xi32, #tpu.memory_space<hbm>>
        tpu.wait_dma2 semaphore(%run_scoped3A : memref<!tpu.dma_semaphore, #tpu.memory_space<semaphore_mem>>) src(%dma_wait3A_28 : memref<32xi32, #tpu.memory_space<hbm>>) dst(%arg7 : memref<32xi32, #tpu.memory_space<vmem>>)
        tpu.yield
      }) : () -> ()
      %dma_start3A = arith.constant 0 : i32
      %dma_start3A_14 = arith.constant 0 : i32
      %dma_start3A_15 = tpu.memref_slice %arg2[%dma_start3A, %dma_start3A_14] : memref<32768x768xf32, #tpu.memory_space<hbm>> -> memref<32768x768xf32, #tpu.memory_space<hbm>>
      tpu.enqueue_indirect_dma source(%dma_start3A_15 : memref<32768x768xf32, #tpu.memory_space<hbm>>) target(%arg8 : memref<32x768xf32, #tpu.memory_space<vmem>>) offsets(%arg7 : memref<32xi32, #tpu.memory_space<vmem>>) semaphore(%arg10 : memref<!tpu.dma_semaphore, #tpu.memory_space<semaphore_mem>>)
      %dma_start3A_16 = arith.constant 0 : i32
      %dma_start3A_17 = arith.constant 0 : i32
      %dma_start3A_18 = tpu.memref_slice %arg3[%dma_start3A_16, %dma_start3A_17] : memref<32768x128xf32, #tpu.memory_space<hbm>> -> memref<32768x128xf32, #tpu.memory_space<hbm>>
      tpu.enqueue_indirect_dma source(%dma_start3A_18 : memref<32768x128xf32, #tpu.memory_space<hbm>>) target(%arg9 : memref<32x128xf32, #tpu.memory_space<vmem>>) offsets(%arg7 : memref<32xi32, #tpu.memory_space<vmem>>) semaphore(%arg11 : memref<!tpu.dma_semaphore, #tpu.memory_space<semaphore_mem>>)
      %dma_wait3A = arith.constant 0 : i32
      %dma_wait3A_19 = arith.constant 0 : i32
      %dma_wait3A_20 = tpu.memref_slice %arg2[%dma_wait3A, %dma_wait3A_19] : memref<32768x768xf32, #tpu.memory_space<hbm>> -> memref<32768x768xf32, #tpu.memory_space<hbm>>
      tpu.wait_indirect_dma semaphore(%arg10 : memref<!tpu.dma_semaphore, #tpu.memory_space<semaphore_mem>>) src(%dma_wait3A_20 : memref<32768x768xf32, #tpu.memory_space<hbm>>) dst(%arg8 : memref<32x768xf32, #tpu.memory_space<vmem>>)
      %dma_wait3A_21 = arith.constant 0 : i32
      %dma_wait3A_22 = arith.constant 0 : i32
      %dma_wait3A_23 = tpu.memref_slice %arg3[%dma_wait3A_21, %dma_wait3A_22] : memref<32768x128xf32, #tpu.memory_space<hbm>> -> memref<32768x128xf32, #tpu.memory_space<hbm>>
      tpu.wait_indirect_dma semaphore(%arg11 : memref<!tpu.dma_semaphore, #tpu.memory_space<semaphore_mem>>) src(%dma_wait3A_23 : memref<32768x128xf32, #tpu.memory_space<hbm>>) dst(%arg9 : memref<32x128xf32, #tpu.memory_space<vmem>>)
      "tpu.region"() ({
        %run_scoped3A = tpu.sem_alloc : memref<!tpu.dma_semaphore, #tpu.memory_space<semaphore_mem>>
        %dma_start3A_25 = arith.constant 0 : i32
        %dma_start3A_26 = tpu.memref_slice %arg5[%add3A_13, %dma_start3A_25] : memref<32768x768xf32, #tpu.memory_space<hbm>> -> memref<32x768xf32, #tpu.memory_space<hbm>>
        %dma_start3A_27 = arith.constant 0 : i32
        %dma_start3A_28 = tpu.memref_slice %arg5[%add3A_13, %dma_start3A_27] : memref<32768x768xf32, #tpu.memory_space<hbm>> -> memref<32x768xf32, #tpu.memory_space<hbm>>
        tpu.enqueue_dma source(%arg8 : memref<32x768xf32, #tpu.memory_space<vmem>>) target(%dma_start3A_28 : memref<32x768xf32, #tpu.memory_space<hbm>>) target_semaphore(%run_scoped3A : memref<!tpu.dma_semaphore, #tpu.memory_space<semaphore_mem>>)
        %dma_wait3A_29 = arith.constant 0 : i32
        %dma_wait3A_30 = tpu.memref_slice %arg5[%add3A_13, %dma_wait3A_29] : memref<32768x768xf32, #tpu.memory_space<hbm>> -> memref<32x768xf32, #tpu.memory_space<hbm>>
        %dma_wait3A_31 = arith.constant 0 : i32
        %dma_wait3A_32 = tpu.memref_slice %arg5[%add3A_13, %dma_wait3A_31] : memref<32768x768xf32, #tpu.memory_space<hbm>> -> memref<32x768xf32, #tpu.memory_space<hbm>>
        tpu.wait_dma2 semaphore(%run_scoped3A : memref<!tpu.dma_semaphore, #tpu.memory_space<semaphore_mem>>) src(%arg8 : memref<32x768xf32, #tpu.memory_space<vmem>>) dst(%dma_wait3A_32 : memref<32x768xf32, #tpu.memory_space<hbm>>)
        tpu.yield
      }) : () -> ()
      "tpu.region"() ({
        %run_scoped3A = tpu.sem_alloc : memref<!tpu.dma_semaphore, #tpu.memory_space<semaphore_mem>>
        %dma_start3A_25 = arith.constant 0 : i32
        %dma_start3A_26 = tpu.memref_slice %arg6[%add3A_13, %dma_start3A_25] : memref<32768x128xf32, #tpu.memory_space<hbm>> -> memref<32x128xf32, #tpu.memory_space<hbm>>
        %dma_start3A_27 = arith.constant 0 : i32
        %dma_start3A_28 = tpu.memref_slice %arg6[%add3A_13, %dma_start3A_27] : memref<32768x128xf32, #tpu.memory_space<hbm>> -> memref<32x128xf32, #tpu.memory_space<hbm>>
        tpu.enqueue_dma source(%arg9 : memref<32x128xf32, #tpu.memory_space<vmem>>) target(%dma_start3A_28 : memref<32x128xf32, #tpu.memory_space<hbm>>) target_semaphore(%run_scoped3A : memref<!tpu.dma_semaphore, #tpu.memory_space<semaphore_mem>>)
        %dma_wait3A_29 = arith.constant 0 : i32
        %dma_wait3A_30 = tpu.memref_slice %arg6[%add3A_13, %dma_wait3A_29] : memref<32768x128xf32, #tpu.memory_space<hbm>> -> memref<32x128xf32, #tpu.memory_space<hbm>>
        %dma_wait3A_31 = arith.constant 0 : i32
        %dma_wait3A_32 = tpu.memref_slice %arg6[%add3A_13, %dma_wait3A_31] : memref<32768x128xf32, #tpu.memory_space<hbm>> -> memref<32x128xf32, #tpu.memory_space<hbm>>
        tpu.wait_dma2 semaphore(%run_scoped3A : memref<!tpu.dma_semaphore, #tpu.memory_space<semaphore_mem>>) src(%arg9 : memref<32x128xf32, #tpu.memory_space<vmem>>) dst(%dma_wait3A_32 : memref<32x128xf32, #tpu.memory_space<hbm>>)
        tpu.yield
      }) : () -> ()
      %scan3A_24 = arith.constant 0 : i32
      scf.yield %scan3A_24 : i32
    }
    %scan3A_8 = arith.constant 32 : i32
    return
  }
}

module attributes {stable_mosaic.version = 14 : i64} {
  func.func @body(%arg0: i32, %arg1: memref<256x768xf32, #tpu.memory_space<vmem>>, %arg2: memref<256x768xf32, #tpu.memory_space<vmem>>, %arg3: memref<256x128xf32, #tpu.memory_space<vmem>>, %arg4: memref<256x128xf32, #tpu.memory_space<vmem>>, %arg5: memref<768x256xf32, #tpu.memory_space<vmem>>, %arg6: memref<1x256xf32, #tpu.memory_space<vmem>>, %arg7: memref<1x256xf32, #tpu.memory_space<vmem>>, %arg8: memref<1x256xf32, #tpu.memory_space<vmem>>, %arg9: memref<256x256xf32, #tpu.memory_space<vmem>>, %arg10: memref<256x128xf32, #tpu.memory_space<vmem>>) attributes {dimension_semantics = [#tpu.dimension_semantics<arbitrary>], iteration_bounds = array<i64: 64>, scalar_prefetch = 0 : i64, scratch_operands = 0 : i64, tpu.core_type = #tpu.core_type<tc>, window_params = [{transform_indices = @transform_0, window_bounds = array<i64: 256, 768>}, {transform_indices = @transform_1, window_bounds = array<i64: 256, 768>}, {transform_indices = @transform_2, window_bounds = array<i64: 256, 128>}, {transform_indices = @transform_3, window_bounds = array<i64: 256, 128>}, {pipeline_mode = #tpu.pipeline_mode<synchronous>, transform_indices = @transform_4, window_bounds = array<i64: 768, 256>}, {pipeline_mode = #tpu.pipeline_mode<synchronous>, transform_indices = @transform_5, window_bounds = array<i64: 1, 256>}, {pipeline_mode = #tpu.pipeline_mode<synchronous>, transform_indices = @transform_6, window_bounds = array<i64: 1, 256>}, {pipeline_mode = #tpu.pipeline_mode<synchronous>, transform_indices = @transform_7, window_bounds = array<i64: 1, 256>}, {transform_indices = @transform_8, window_bounds = array<i64: 256, 256>}, {transform_indices = @transform_9, window_bounds = array<i64: 256, 128>}]} {
    %get3A = arith.constant 0 : index
    %get3A_0 = arith.constant 0 : index
    %get3A_1 = vector.load %arg1[%get3A, %get3A_0] : memref<256x768xf32, #tpu.memory_space<vmem>>, vector<256x768xf32>
    %get3A_2 = arith.constant 0 : index
    %get3A_3 = arith.constant 0 : index
    %get3A_4 = vector.load %arg2[%get3A_2, %get3A_3] : memref<256x768xf32, #tpu.memory_space<vmem>>, vector<256x768xf32>
    %max3A = arith.maximumf %get3A_1, %get3A_4 : vector<256x768xf32>
    %get3A_5 = arith.constant 0 : index
    %get3A_6 = arith.constant 0 : index
    %get3A_7 = vector.load %arg5[%get3A_5, %get3A_6] : memref<768x256xf32, #tpu.memory_space<vmem>>, vector<768x256xf32>
    %dot_general3A = arith.constant dense<0.000000e+00> : vector<256x256xf32>
    %dot_general3A_8 = tpu.matmul %max3A, %get3A_7, %dot_general3A {dimension_numbers = #tpu.dot_dimension_numbers<[1], [0], [0], [1], [0, 0, 1, 1], [], []>, precision = #tpu.contract_precision<fp32>, transpose_lhs_hint = false} : vector<256x768xf32>, vector<768x256xf32>, vector<256x256xf32> -> vector<256x256xf32>
    %get3A_9 = arith.constant 0 : index
    %get3A_10 = arith.constant 0 : index
    %get3A_11 = vector.load %arg6[%get3A_9, %get3A_10] : memref<1x256xf32, #tpu.memory_space<vmem>>, vector<1x256xf32>
    %add3A = vector.broadcast %get3A_11 : vector<1x256xf32> to vector<256x256xf32>
    %add3A_12 = arith.addf %dot_general3A_8, %add3A : vector<256x256xf32>
    %reduce_sum3A = arith.constant dense<0.000000e+00> : vector<256xf32>
    %reduce_sum3A_13 = vector.multi_reduction <add>, %add3A_12, %reduce_sum3A [1] : vector<256x256xf32> to vector<256xf32>
    %broadcast_in_dim3A = vector.shape_cast %reduce_sum3A_13 : vector<256xf32> to vector<256x1xf32>
    %div3A = arith.constant 2.560000e+02 : f32
    %div3A_14 = vector.broadcast %div3A : f32 to vector<256x1xf32>
    %div3A_15 = arith.divf %broadcast_in_dim3A, %div3A_14 : vector<256x1xf32>
    %sub3A = vector.broadcast %div3A_15 : vector<256x1xf32> to vector<256x256xf32>
    %sub3A_16 = arith.subf %add3A_12, %sub3A : vector<256x256xf32>
    %integer_pow3A = arith.mulf %sub3A_16, %sub3A_16 : vector<256x256xf32>
    %reduce_sum3A_17 = arith.constant dense<0.000000e+00> : vector<256xf32>
    %reduce_sum3A_18 = vector.multi_reduction <add>, %integer_pow3A, %reduce_sum3A_17 [1] : vector<256x256xf32> to vector<256xf32>
    %broadcast_in_dim3A_19 = vector.shape_cast %reduce_sum3A_18 : vector<256xf32> to vector<256x1xf32>
    %div3A_20 = arith.constant 2.560000e+02 : f32
    %div3A_21 = vector.broadcast %div3A_20 : f32 to vector<256x1xf32>
    %div3A_22 = arith.divf %broadcast_in_dim3A_19, %div3A_21 : vector<256x1xf32>
    %sub3A_23 = vector.broadcast %div3A_15 : vector<256x1xf32> to vector<256x256xf32>
    %sub3A_24 = arith.subf %add3A_12, %sub3A_23 : vector<256x256xf32>
    %add3A_25 = arith.constant 9.99999997E-7 : f32
    %add3A_26 = vector.broadcast %add3A_25 : f32 to vector<256x1xf32>
    %add3A_27 = arith.addf %div3A_22, %add3A_26 : vector<256x1xf32>
    %rsqrt3A = math.rsqrt %add3A_27 : vector<256x1xf32>
    %mul3A = vector.broadcast %rsqrt3A : vector<256x1xf32> to vector<256x256xf32>
    %mul3A_28 = arith.mulf %sub3A_24, %mul3A : vector<256x256xf32>
    %get3A_29 = arith.constant 0 : index
    %get3A_30 = arith.constant 0 : index
    %get3A_31 = vector.load %arg7[%get3A_29, %get3A_30] : memref<1x256xf32, #tpu.memory_space<vmem>>, vector<1x256xf32>
    %mul3A_32 = vector.broadcast %get3A_31 : vector<1x256xf32> to vector<256x256xf32>
    %mul3A_33 = arith.mulf %mul3A_28, %mul3A_32 : vector<256x256xf32>
    %get3A_34 = arith.constant 0 : index
    %get3A_35 = arith.constant 0 : index
    %get3A_36 = vector.load %arg8[%get3A_34, %get3A_35] : memref<1x256xf32, #tpu.memory_space<vmem>>, vector<1x256xf32>
    %add3A_37 = vector.broadcast %get3A_36 : vector<1x256xf32> to vector<256x256xf32>
    %add3A_38 = arith.addf %mul3A_33, %add3A_37 : vector<256x256xf32>
    %swap3A = arith.constant 0 : index
    %swap3A_39 = arith.constant 0 : index
    %swap3A_40 = vector.load %arg9[%swap3A, %swap3A_39] : memref<256x256xf32, #tpu.memory_space<vmem>>, vector<256x256xf32>
    tpu.vector_store %arg9[%swap3A, %swap3A_39], %add3A_38 {strides = array<i32>} : memref<256x256xf32, #tpu.memory_space<vmem>>, vector<256x256xf32>,
    %get3A_41 = arith.constant 0 : index
    %get3A_42 = arith.constant 0 : index
    %get3A_43 = vector.load %arg3[%get3A_41, %get3A_42] : memref<256x128xf32, #tpu.memory_space<vmem>>, vector<256x128xf32>
    %get3A_44 = arith.constant 0 : index
    %get3A_45 = arith.constant 0 : index
    %get3A_46 = vector.load %arg4[%get3A_44, %get3A_45] : memref<256x128xf32, #tpu.memory_space<vmem>>, vector<256x128xf32>
    %add3A_47 = arith.addf %get3A_43, %get3A_46 : vector<256x128xf32>
    %mul3A_48 = arith.constant 5.000000e-01 : f32
    %mul3A_49 = vector.broadcast %mul3A_48 : f32 to vector<256x128xf32>
    %mul3A_50 = arith.mulf %add3A_47, %mul3A_49 : vector<256x128xf32>
    %swap3A_51 = arith.constant 0 : index
    %swap3A_52 = arith.constant 0 : index
    %swap3A_53 = vector.load %arg10[%swap3A_51, %swap3A_52] : memref<256x128xf32, #tpu.memory_space<vmem>>, vector<256x128xf32>
    tpu.vector_store %arg10[%swap3A_51, %swap3A_52], %mul3A_50 {strides = array<i32>} : memref<256x128xf32, #tpu.memory_space<vmem>>, vector<256x128xf32>,
    return
  }
  func.func @transform_0(%arg0: i32) -> (i32, i32) {
    %c0_i32 = arith.constant 0 : i32
    %c0_i32_0 = arith.constant 0 : i32
    return %arg0, %c0_i32 : i32, i32
  }
  func.func @transform_1(%arg0: i32) -> (i32, i32) {
    %add3A = arith.constant 64 : i32
    %add3A_0 = arith.addi %arg0, %add3A : i32
    %c0_i32 = arith.constant 0 : i32
    %c0_i32_1 = arith.constant 0 : i32
    return %add3A_0, %c0_i32 : i32, i32
  }
  func.func @transform_2(%arg0: i32) -> (i32, i32) {
    %c0_i32 = arith.constant 0 : i32
    %c0_i32_0 = arith.constant 0 : i32
    return %arg0, %c0_i32 : i32, i32
  }
  func.func @transform_3(%arg0: i32) -> (i32, i32) {
    %add3A = arith.constant 64 : i32
    %add3A_0 = arith.addi %arg0, %add3A : i32
    %c0_i32 = arith.constant 0 : i32
    %c0_i32_1 = arith.constant 0 : i32
    return %add3A_0, %c0_i32 : i32, i32
  }
  func.func @transform_4(%arg0: i32) -> (i32, i32) {
    %c0_i32 = arith.constant 0 : i32
    %c0_i32_0 = arith.constant 0 : i32
    %c0_i32_1 = arith.constant 0 : i32
    return %c0_i32, %c0_i32_0 : i32, i32
  }
  func.func @transform_5(%arg0: i32) -> (i32, i32) {
    %c0_i32 = arith.constant 0 : i32
    %c0_i32_0 = arith.constant 0 : i32
    %c0_i32_1 = arith.constant 0 : i32
    return %c0_i32, %c0_i32_0 : i32, i32
  }
  func.func @transform_6(%arg0: i32) -> (i32, i32) {
    %c0_i32 = arith.constant 0 : i32
    %c0_i32_0 = arith.constant 0 : i32
    %c0_i32_1 = arith.constant 0 : i32
    return %c0_i32, %c0_i32_0 : i32, i32
  }
  func.func @transform_7(%arg0: i32) -> (i32, i32) {
    %c0_i32 = arith.constant 0 : i32
    %c0_i32_0 = arith.constant 0 : i32
    %c0_i32_1 = arith.constant 0 : i32
    return %c0_i32, %c0_i32_0 : i32, i32
  }
  func.func @transform_8(%arg0: i32) -> (i32, i32) {
    %c0_i32 = arith.constant 0 : i32
    %c0_i32_0 = arith.constant 0 : i32
    return %arg0, %c0_i32 : i32, i32
  }
  func.func @transform_9(%arg0: i32) -> (i32, i32) {
    %c0_i32 = arith.constant 0 : i32
    %c0_i32_0 = arith.constant 0 : i32
    return %arg0, %c0_i32 : i32, i32
  }
}

</mosaic_0001>

<sc_bundles>
// kernel: kernel.4.cloned.1.call-start
scs
__scs_entry_jumppad:
0x0: {  	(pc) =	sbr.rel $0x88, $3  }
0x1: {  	(tag) =	ssettag $0x0;
	lr =	simm.s32 $0x1  }
0x2: {  	[smem:$0x3F9B] =	sst lr;
	_ =	strace $0xD0000000  }
0x3: {  	_ = 	snop  }
0x4: {  	_ = 	snop  }
0x5: {  	_ = 	snop  }
0x6: {  	_ = 	snop  }
0x7: {  	_ = 	snop  }
__scs_overlays_trampoline_lowered:
0x8: {  	[smem:$0x3FAA] =	sst s0  }
0x9: {  	[smem:$0x3FAB] =	sst s1  }
0xa: {  	[smem:$0x3FAC] =	sst s2  }
0xb: {  	[smem:$0x3FAD] =	sst s3  }
0xc: {  	[smem:$0x3FAE] =	sst s4  }
0xd: {  	[smem:$0x3FAF] =	sst s5  }
0xe: {  	[smem:$0x3FB0] =	sst s6  }
0xf: {  	[smem:$0x3FB1] =	sst s7  }
0x10: {  	[smem:$0x3FB2] =	sst s8  }
0x11: {  	[smem:$0x3FB3] =	sst s9;
	s0 =	simm.s32 @!p0 $0x0  }
0x12: {  	s1 =	sld [smem:$0x3F99];
	s0 =	simm.s32 @p0 $0x1  }
0x13: {  	[smem:$0x3FB4] =	sst s0;
	s0 =	simm.s32 @!p1 $0x0  }
0x14: {  	s2 =	sld [smem:$0x3F98];
	s0 =	simm.s32 @p1 $0x1  }
0x15: {  	[smem:$0x3FB5] =	sst s0;
	s0 =	simm.s32 @!p2 $0x0  }
0x16: {  	s3 =	sld [smem:$0x3FDB];
	s0 =	simm.s32 @p2 $0x1  }
0x17: {  	s4 =	simm.s32 $0x1BF5;
	[smem:$0x3FB7] =	sst s0  }
0x18: {  	s0 =	sld [smem:$0x3F9A];
	_ =	swait.ge [sflag:s4], $0x0  }
0x19: {  	s7 =	sld [smem:$0x3F9B]  }
0x1a: {  	s8 =	sadd.s32 $0xFFFFE003, lr  }
0x1b: {  	s9 =	sadd.s32 $0xFFFFFEF7, lr;
	s5 =	simm.s32 $0xFFFFFFFF;
	p2 =	slt.u32 s8, $0xFFFFF086  }
0x1c: {  	p1 =	slt.u32 s9, $0xF7A;
	s5 =	simm.s32 @!p2 $0x0  }
0x1d: {  	s5 =	simm.s32 @p1 $0x1;
	p0 =	seq.s32 s7, s2  }
0x1e: {  	s7 =	smul.u32 @!p0 $0xF7A, s2;
	p2 =	seq.s32 @!p0 s5, $0x0  }
0x1f: {  	s9 =	smul.u32 $0xF7A, s1;
	s8 =	simm.s32 @!p0 $0x1BF5;
	p2 =	por !p2, p0  }
0x20: {  	[sflag:s8] =	ssyncset.s32 @!p0 $0xFFFFF086;
	s6 =	sadd.s32 @!p0 s3, s7;
	s7 =	simm.s32 @!p0 $0x108  }
0x21: {  	s3 =	sadd.s32 s3, s9;
	s6 =	sadd.s32 @!p0 $0x88, s6;
	s7 =	simm.s32 @p2 $0x1082  }
0x22: {  	[simem:s7], [sflag:s8] =	dma.local @!p0 [hbm:s6], $0xF7A  }
0x23: {  	s9 =	sor.u32 $0xD0000000, s2;
	s6 =	simm.s32 $0x108;
	_ =	swait.ge @!p0 [sflag:s8], $0x0  }
0x24: {  	s3 =	sadd.s32 $0x88, s3;
	s6 =	simm.s32 @!p1 $0x1082;
	[sflag:s4] =	ssyncset.s32 $0xFFFFF086  }
0x25: {  	[simem:s6], [sflag:s4] =	dma.local [hbm:s3], $0xF7A  }
0x26: {  	[smem:$0x3F9B] =	sst s1;
	(tag) =	ssettag s2;
	_ =	strace s9  }
0x27: {  	s1 =	sld [smem:$0x3FAB]  }
0x28: {  	s2 =	sld [smem:$0x3FAC]  }
0x29: {  	s4 =	sld [smem:$0x3FAE]  }
0x2a: {  	p0 =	seq.s32 s5, $0x0;
	s5 =	sld [smem:$0x3FAF]  }
0x2b: {  	s6 =	sld [smem:$0x3FB0]  }
0x2c: {  	s7 =	sld [smem:$0x3FB1]  }
0x2d: {  	s3 =	simm.s32 $0x108;
	s8 =	sld [smem:$0x3FB2]  }
0x2e: {  	s3 =	simm.s32 @!p0 $0x1082;
	s9 =	sld [smem:$0x3FB3]  }
0x2f: {  	lr =	sadd.s32 s0, s3;
	s0 =	sld [smem:$0x3FAA]  }
0x30: {  	s3 =	sld [smem:$0x3FAD]  }
0x31: {  	[smem:$0x3FB6] =	sst s10  }
0x32: {  	s10 =	sld [smem:$0x3FB4];
	_ =	sdelay $0x3  }
0x33: {  	p0 =	seq.s32 s10, $0x1;
	s10 =	sld [smem:$0x3FB6];
	_ =	sdelay $0x3  }
0x34: {  	[smem:$0x3FB6] =	sst s10  }
0x35: {  	s10 =	sld [smem:$0x3FB5];
	_ =	sdelay $0x3  }
0x36: {  	p1 =	seq.s32 s10, $0x1;
	s10 =	sld [smem:$0x3FB6];
	_ =	sdelay $0x3  }
0x37: {  	[smem:$0x3FB6] =	sst s10  }
0x38: {  	s10 =	sld [smem:$0x3FB7]  }
0x39: {  	_ = 	snop;
	(pc) =	sbr.ind lr, $3  }
0x3a: {  	_ = 	snop  }
0x3b: {  	_ = 	snop  }
0x3c: {  	p2 =	seq.s32 s10, $0x1;
	s10 =	sld [smem:$0x3FB6]  }
0x3d: {  	_ =	shalt  }
0x3e: {  	_ =	shalt  }
0x3f: {  	_ =	shalt  }
0x40: {  	_ =	shalt  }
0x41: {  	_ =	shalt  }
0x42: {  	_ =	shalt  }
0x43: {  	_ =	shalt  }
0x44: {  	_ =	shalt  }
0x45: {  	_ =	shalt  }
0x46: {  	_ =	shalt  }
0x47: {  	_ =	shalt  }
0x48: {  	_ =	shalt  }
0x49: {  	_ =	shalt  }
0x4a: {  	_ =	shalt  }
0x4b: {  	_ =	shalt  }
0x4c: {  	_ =	shalt  }
0x4d: {  	_ =	shalt  }
0x4e: {  	_ =	shalt  }
0x4f: {  	_ =	shalt  }
0x50: {  	_ =	shalt  }
0x51: {  	_ =	shalt  }
0x52: {  	_ =	shalt  }
0x53: {  	_ =	shalt  }
0x54: {  	_ =	shalt  }
0x55: {  	_ =	shalt  }
0x56: {  	_ =	shalt  }
0x57: {  	_ =	shalt  }
0x58: {  	_ =	shalt  }
0x59: {  	_ =	shalt  }
0x5a: {  	_ =	shalt  }
0x5b: {  	_ =	shalt  }
0x5c: {  	_ =	shalt  }
0x5d: {  	_ =	shalt  }
0x5e: {  	_ =	shalt  }
0x5f: {  	_ =	shalt  }
0x60: {  	_ =	shalt  }
0x61: {  	_ =	shalt  }
0x62: {  	_ =	shalt  }
0x63: {  	_ =	shalt  }
0x64: {  	_ =	shalt  }
0x65: {  	_ =	shalt  }
0x66: {  	_ =	shalt  }
0x67: {  	_ =	shalt  }
0x68: {  	_ =	shalt  }
0x69: {  	_ =	shalt  }
0x6a: {  	_ =	shalt  }
0x6b: {  	_ =	shalt  }
0x6c: {  	_ =	shalt  }
0x6d: {  	_ =	shalt  }
0x6e: {  	_ =	shalt  }
0x6f: {  	_ =	shalt  }
0x70: {  	_ =	shalt  }
0x71: {  	_ =	shalt  }
0x72: {  	_ =	shalt  }
0x73: {  	_ =	shalt  }
0x74: {  	_ =	shalt  }
0x75: {  	_ =	shalt  }
0x76: {  	_ =	shalt  }
0x77: {  	_ =	shalt  }
0x78: {  	_ =	shalt  }
0x79: {  	_ =	shalt  }
0x7a: {  	_ =	shalt  }
0x7b: {  	_ =	shalt  }
0x7c: {  	_ =	shalt  }
0x7d: {  	_ =	shalt  }
0x7e: {  	_ =	shalt  }
0x7f: {  	_ =	shalt  }
0x80: {  	_ =	shalt  }
0x81: {  	_ =	shalt  }
0x82: {  	_ =	shalt  }
0x83: {  	_ =	shalt  }
0x84: {  	_ =	shalt  }
0x85: {  	_ =	shalt  }
0x86: {  	_ =	shalt  }
0x87: {  	_ =	shalt  }
.Lfunc_end0:
.L_simem_size_0:
called_computation_lowered:
.L_overlay_start_0:
0x88: {  	s2 =	sld [smem:$0x3FD9]  }
0x89: {  	s3 =	sld [smem:$0x3FFE];
	_ =	sdelay $0x1  }
0x8a: {  	s1 =	srdreg.scid  }
0x8b: {  	s0 =	sand.u32 $0x1, s1  }
0x8c: {  	s14 =	sshll.u32 s0, $0xA;
	s2 =	sadd.s32 s3, s2  }
0x8d: {  	s2 =	sadd.s32 s2, s14  }
0x8e: {  	[smem:$0x3FC2] =	sst s2  }
0x8f: {  	_ = 	snop  }
0x90: {  	s2 =	sld [smem:$0x3FD0];
	_ =	sdelay $0x2  }
0x91: {  	s4 =	simm.s32 $0xA;
	s5 =	simm.s32 $0x10;
	s15 =	sld [smem:$0x3FC9]  }
0x92: {  	[smem:s5], [sflag:s4] =	dma.local [hbm:s2], $0x1  }
0x93: {  	_ =	swait.eq [sflag:s4], $0x1  }
0x94: {  	[sflag:s4] =	ssyncset.done $0x0  }
0x95: {  	s16 =	sld [smem:$0x10];
	[sflag:s4] =	ssyncadd.s32 $0xFFFFFFFF  }
0x96: {  	s17 =	sld [smem:$0x11];
	(tm) =	ssettm $0x1  }
0x97: {  	s18 =	sld [smem:$0x3FFB];
	_ =	sdelay $0x3  }
0x98: {  	_ =	strace s18  }
0x99: {  	s5 =	sld [smem:$0x3FFC];
	_ =	sdelay $0x3  }
0x9a: {  	_ =	strace s5  }
0x9b: {  	s5 =	sld [smem:$0x3FFD];
	_ =	sdelay $0x3  }
0x9c: {  	_ =	strace s5  }
0x9d: {  	_ =	strace $0x8FFFFFFF  }
0x9e: {  	s19 =	sld [smem:$0x3FDB];
	_ =	sdelay $0x1  }
0x9f: {  	s6 =	simm.s32 $_scs_section_size  }
0xa0: {  	s7 =	simm.s32 $_size__tile_overlayer_lowered;
	s8 =	simm.s32 $_tile_overlayer_lowered  }
0xa1: {  	s22 =	simm.s32 $0x1BFF;
	s21 =	sshll.u32 s8, $0x1;
	s5 =	sadd.s32 s6, s19  }
0xa2: {  	s9 =	simm.s32 $0x0;
	s20 =	sshll.u32 s7, $0x1;
	s7 =	sadd.s32 s21, s5  }
0xa3: {  	[timem:s9], [sflag:s22] =	dma.local [hbm:s7], s20  }
0xa4: {  	_ =	swait.ge [sflag:s22], s20  }
0xa5: {  	s6 =	ssub.s32 $0x0, s20;
	[sflag:s22] =	ssyncset.done $0x0  }
0xa6: {  	[sflag:s22] =	ssyncadd.s32 s6;
	_ =	sdelay $0x1  }
0xa7: {  	s23 =	simm.s32 $0x1B8B  }
0xa8: {  	_ =	swait.ge [sflag:s23], $0x1  }
0xa9: {  	[sflag:s23] =	ssyncset.done $0x0  }
0xaa: {  	s25 =	simm.s32 $0x1B8E;
	s24 =	sld [smem:$0x3FFE];
	[sflag:s23] =	ssyncadd.s32 $0xFFFFFFFF  }
0xab: {  	s26 =	simm.s32 $execute0_lowered;
	[smem:$0x3FD2] =	sst s25  }
0xac: {  	s7 =	sshll.u32 s26, $0x1;
	_ =	strace $0x80000046;
	[dreg:$0x1] =	wrdreg $0xFFFFFFFF  }
0xad: {  	s28 =	simm.s32 $_size_execute0_lowered;
	s5 =	sadd.s32 s5, s7;
	[dreg:$0x0] =	wrdreg $0x0  }
0xae: {  	s7 =	sshll.u32 s28, $0x1;
	[dreg:$0x2] =	wrdreg s5  }
0xaf: {  	[dreg:$0x3] =	wrdreg s7  }
0xb0: {  	[dreg:$0x4] =	wrdreg $0xC0  }
0xb1: {  	_ =	task [dreg:s9], $0x5FFFF  }
0xb2: {  	[dreg:$0x1] =	wrdreg $0xFFFFFFFF  }
0xb3: {  	[dreg:$0x0] =	wrdreg $0x60  }
0xb4: {  	[dreg:$0x2] =	wrdreg s15  }
0xb5: {  	[dreg:$0x3] =	wrdreg s16  }
0xb6: {  	[dreg:$0x4] =	wrdreg s17  }
0xb7: {  	[dreg:$0x5] =	wrdreg s24  }
0xb8: {  	[dreg:$0x6] =	wrdreg $0x9  }
0xb9: {  	_ =	task.clear_ibuf [dreg:s9], $0x7FFFF;
	_ =	strace $0x90000046  }
0xba: {  	s29 =	simm.s32 $0x9;
	_ =	strace $0x80000048  }
0xbb: {  	_ =	swait.ge [sflag:s29], $0x1  }
0xbc: {  	[sflag:s29] =	ssyncadd.s32 $0xFFFFFFFF  }
0xbd: {  	_ =	strace $0x90000048  }
0xbe: {  	_ =	sfence  }
0xbf: {  	s30 =	sld [smem:$0x0];
	_ =	sdelay $0x2  }
0xc0: {  	s31 =	sshll.u32 s1, $0xD;
	s1 =	sshrl.u32 s1, $0x2  }
0xc1: {  	s3 =	sand.u32 $0x4000, s31;
	s1 =	sadd.s32 s1, s30  }
0xc2: {  	s0 =	sor.u32 s3, s0;
	s1 =	sshll.u32 s1, $0x11  }
0xc3: {  	s0 =	sor.u32 s1, s0  }
0xc4: {  	s0 =	sadd.s32 $0x8F2B, s0  }
0xc5: {  	[sflag:s0] =	ssyncadd.remote.s32 $0x1  }
0xc6: {  	_ =	sfence.sel $0xFFFF  }
0xc7: {  	[dreg:$0x0] =	wrdreg $0xFFFFFFFF;
	(pc) =	sbr.abs _section_cstart, $3  }
0xc8: {  	[dreg:$0x1] =	wrdreg $0xFFFFFFFF  }
0xc9: {  	_ =	task.clear_ibuf [dreg:s9], $0x2FFFF;
	_ =	strace $0x9FFFFFFF  }
0xca: {  	(tm) =	ssettm $0x7FFFFFFF  }
0xcb: {  	_ =	shalt  }
tec
execute0_lowered:
.L_overlay_start_1:
0x0: {  	(tag) =	ssettag $0x1  }
0x1: {  	s1 =	rddreg [dreg:$0x0]  }
0x2: {  	s2 =	rddreg [dreg:$0x1]  }
0x3: {  	s0 =	rddreg [dreg:$0x2]  }
0x4: {  	s9 =	rddreg [dreg:$0x3]  }
0x5: {  	s4 =	simm.s32 $0x0;
	s5 =	srdreg.scid;
	s3 =	stileid.u32  }
0x6: {  	s14 =	simm.s32 $0x1080;
	s15 =	simm.s32 $0x1880;
	s16 =	simm.s32 $0x2080  }
0x7: {  	s17 =	simm.s32 $0x2880;
	s18 =	simm.s32 $0x3080;
	s19 =	simm.s32 $0x3880  }
0x8: {  	s20 =	simm.s32 $0x4080;
	s21 =	simm.s32 $0x4880;
	s22 =	simm.s32 $0x5080  }
0x9: {  	s23 =	simm.s32 $0x5880;
	s24 =	simm.s32 $0x20;
	s25 =	simm.s32 $0x6080  }
0xa: {  	s28 =	simm.s32 $0x2;
	s29 =	simm.s32 $0x0;
	[smem:$0x7FF] =	sst s4  }
0xb: {  	s6 =	sand.u32 $0x1, s5;
	s7 =	sshll.u32 s3, $0xB;
	s10 =	sshll.u32 s3, $0xF  }
0xc: {  	_ =	strace $0x80000047;
	s5 =	ssub.s32 $0x2, s6;
	s8 =	sshll.u32 s6, $0xA  }
0xd: {  	s26 =	sadd.s32 s10, s9;
	s12 =	sshll.u32 s6, $0xE;
	s6 =	sadd.s32 $0x200, s1  }
0xe: {  	s11 =	sshrl.u32 s5, $0x1;
	s7 =	sor.u32 s8, s7;
	s8 =	sadd.s32 s12, s26  }
0xf: {  	s12 =	simm.s32 $0x80;
	s26 =	simm.s32 $0x1;
	s31 =	sshrl.u32 s7, $0x3  }
0x10: {  	v2 =	vlaneseq.u32;
	s30 =	ssub.s32 s5, s11;
	s5 =	sadd.s32 $0x100, s1;
	s13 =	smul.u32 $0x300, s31  }
0x11: {  	vm0 =	vmmov $0xffff;
	v1 =	vshrl.u32 v2, $0x3;
	s8 =	sadd.s32 $0x300000, s8;
	s11 =	simm.s32 $0x3;
	s7 =	smax.u32 s30, $0x1  }
0x12: {  	v0 =	vand.u32 $0x7, v2;
	v2 =	vor.u32 $0x8, v2;
	v1 =	vmul.u32 $0x8, v1;
	s10 =	sadd.s32 s31, s0;
	s9 =	sadd.s32 s13, s9;
	s13 =	simm.s32 $0x880  }
.LBB2_1:
0x13: {  	s30 =	smov.u32 s9;
	s31 =	smov.u32 s8;
	s0 =	simm.s32 $0x0  }
.LBB2_2:
0x14: {  	s3 =	sadd.s32 s0, s10  }
0x15: {  	[tilespmem:s4], [sflag:$0x3] =	stream.linear.gather [hbm4b:s3+s4], $0x20, $0x38;
	[tilespmem:$0x7080] =	vst v63  }
0x16: {  	_ =	swait.ge [sflag:s11], $0x20  }
0x17: {  	[sflag:s11] =	ssyncset.done $0x0  }
0x18: {  	[sflag:s11] =	ssyncadd.s32 $0xFFFFFFE0  }
0x19: {  	v3 =	vld [tilespmem:$0x0];
	_ =	sdelay $0x4  }
0x1a: {  	v4 =	vshrl.u32 v3, $0x3  }
0x1b: {  	v4 =	vmul.u32 $0x30, v4  }
0x1c: {  	v3 =	vand.u32 $0x7, v3  }
0x1d: {  	v3 =	vor.u32 v3, v4  }
0x1e: {  	v4 =	vperm.xlane v3, v0;
	_ =	sdelay $0x1  }
0x1f: {  	v4 =	vadd.s32 v1, v4;
	_ =	sdelay $0x3  }
0x20: {  	v3 =	vperm.xlane v3, v2  }
0x21: {  	[tilespmem:s12], [sflag:$0x1] =	stream.indirect_vreg.gather [hbm4b:s1+s4], $0x80, v4, vm0, $0xb8;
	[tilespmem:$0x7080] =	vst v63  }
0x22: {  	v3 =	vadd.s32 v1, v3  }
0x23: {  	[tilespmem:s13], [sflag:$0x1] =	stream.indirect_vreg.gather [hbm4b:s5+s4], $0x80, v4, vm0, $0xb8;
	[tilespmem:$0x7080] =	vst v63  }
0x24: {  	_ = 	snop  }
0x25: {  	[tilespmem:s14], [sflag:$0x1] =	stream.indirect_vreg.gather [hbm4b:s6+s4], $0x80, v4, vm0, $0xb8;
	[tilespmem:$0x7080] =	vst v63  }
0x26: {  	_ = 	snop  }
0x27: {  	[tilespmem:s15], [sflag:$0x1] =	stream.indirect_vreg.gather [hbm4b:s1+s4], $0x80, v3, vm0, $0xb8;
	[tilespmem:$0x7080] =	vst v63  }
0x28: {  	_ = 	snop  }
0x29: {  	[tilespmem:s16], [sflag:$0x1] =	stream.indirect_vreg.gather [hbm4b:s5+s4], $0x80, v3, vm0, $0xb8;
	[tilespmem:$0x7080] =	vst v63  }
0x2a: {  	_ = 	snop  }
0x2b: {  	[tilespmem:s17], [sflag:$0x1] =	stream.indirect_vreg.gather [hbm4b:s6+s4], $0x80, v3, vm0, $0xb8;
	[tilespmem:$0x7080] =	vst v63  }
0x2c: {  	v3 =	vld [tilespmem:$0x10];
	_ =	sdelay $0x4  }
0x2d: {  	v63 =	vshrl.u32 v3, $0x3  }
0x2e: {  	v4 =	vmul.u32 $0x30, v63  }
0x2f: {  	v3 =	vand.u32 $0x7, v3  }
0x30: {  	v3 =	vor.u32 v3, v4  }
0x31: {  	v4 =	vperm.xlane v3, v0;
	_ =	sdelay $0x1  }
0x32: {  	v4 =	vadd.s32 v1, v4;
	_ =	sdelay $0x3  }
0x33: {  	v3 =	vperm.xlane v3, v2  }
0x34: {  	[tilespmem:s18], [sflag:$0x1] =	stream.indirect_vreg.gather [hbm4b:s1+s4], $0x80, v4, vm0, $0xb8;
	[tilespmem:$0x7080] =	vst v63  }
0x35: {  	v3 =	vadd.s32 v1, v3  }
0x36: {  	[tilespmem:s19], [sflag:$0x1] =	stream.indirect_vreg.gather [hbm4b:s5+s4], $0x80, v4, vm0, $0xb8;
	[tilespmem:$0x7080] =	vst v63  }
0x37: {  	_ = 	snop  }
0x38: {  	[tilespmem:s20], [sflag:$0x1] =	stream.indirect_vreg.gather [hbm4b:s6+s4], $0x80, v4, vm0, $0xb8;
	[tilespmem:$0x7080] =	vst v63  }
0x39: {  	_ = 	snop  }
0x3a: {  	[tilespmem:s21], [sflag:$0x1] =	stream.indirect_vreg.gather [hbm4b:s1+s4], $0x80, v3, vm0, $0xb8;
	[tilespmem:$0x7080] =	vst v63  }
0x3b: {  	_ = 	snop  }
0x3c: {  	[tilespmem:s22], [sflag:$0x1] =	stream.indirect_vreg.gather [hbm4b:s5+s4], $0x80, v3, vm0, $0xb8;
	[tilespmem:$0x7080] =	vst v63  }
0x3d: {  	_ = 	snop  }
0x3e: {  	[tilespmem:s23], [sflag:$0x1] =	stream.indirect_vreg.gather [hbm4b:s6+s4], $0x80, v3, vm0, $0xb8;
	[tilespmem:$0x7080] =	vst v63  }
0x3f: {  	_ = 	snop  }
0x40: {  	[tilespmem:s25], [sflag:$0x2] =	stream.indirect.gather [hbm4b:s2+s24], $0x80, s4, s24, $0xb8;
	[tilespmem:$0x7080] =	vst v63  }
0x41: {  	_ =	swait.ge [sflag:s26], $0x6000  }
0x42: {  	[sflag:s26] =	ssyncset.done $0x0  }
0x43: {  	[sflag:s26] =	ssyncadd.s32 $0xFFFFA000  }
0x44: {  	_ =	swait.ge [sflag:s28], $0x1000  }
0x45: {  	[sflag:s28] =	ssyncset.done $0x0  }
0x46: {  	[sflag:s28] =	ssyncadd.s32 $0xFFFFF000  }
0x47: {  	[hbm4b:s30+s4] =	stream.linear.scatter [tilespmem:s12], [sflag:$0x3], $0x6000, $0x38;
	[tilespmem:$0x7080] =	vst v63  }
0x48: {  	_ =	swait.ge [sflag:s11], $0x6000  }
0x49: {  	p0 =	sne.s32 s0, $0x7C;
	[sflag:s11] =	ssyncset.done $0x0  }
.Ltmp0:
0x4a: {  	[sflag:s11] =	ssyncadd.s32 $0xFFFFA000;
	(pc) =	sbr.rel @p0 .LBB2_2-.Ltmp0, $4  }
0x4b: {  	[hbm4b:s31+s4] =	stream.linear.scatter [tilespmem:s25], [sflag:$0x3], $0x1000, $0x38;
	[tilespmem:$0x7080] =	vst v63  }
0x4c: {  	_ =	swait.ge [sflag:s11], $0x1000  }
0x4d: {  	s0 =	sadd.s32 $0x4, s0;
	[sflag:s11] =	ssyncset.done $0x0  }
0x4e: {  	s30 =	sadd.s32 $0xC00, s30;
	s31 =	sadd.s32 $0x200, s31;
	[sflag:s11] =	ssyncadd.s32 $0xFFFFF000  }
0x4f: {  	s29 =	sadd.s32 $0x1, s29  }
0x50: {  	p0 =	sne.s32 s29, s7  }
.Ltmp1:
0x51: {  	_ = 	snop;
	(pc) =	sbr.rel @p0 .LBB2_1-.Ltmp1, $1  }
0x52: {  	_ =	sdelay $0x3  }
0x53: {  	_ =	sfence.sel $0x180000  }
0x54: {  	[bflag:$0x0] =	sbarrier.arrive $0xFFFF  }
0x55: {  	_ =	strace $0x90000047  }
0x56: {  	s0 =	stileid.u32;
	[bflag:$0x2] =	sbarrier.arrive $0xFFFF  }
0x57: {  	p0 =	sne.s32 s0, $0x0;
	s0 =	rddreg [dreg:$0x4]  }
0x58: {  	s0 =	sadd.s32 @!p0 $0x100000, s0  }
0x59: {  	[sflag:s0] =	ssyncadd.tile.s32 @!p0 $0x1;
	_ =	shalt  }
.Lfunc_end2:
_tile_overlayer_lowered:
.L_overlay_start_2:
0x5a: {  	(tag) =	ssettag $0x2  }
0x5b: {  	s0 =	rddreg [dreg:$0x0];
	s2 =	stileid.u32  }
0x5c: {  	s1 =	rddreg [dreg:$0x1];
	p0 =	sne.s32 s2, $0x0  }
0x5d: {  	s3 =	rddreg [dreg:$0x2];
	[bflag:$0x3] =	sbarrier.arrive $0xFFFF;
	s2 =	simm.s32 @!p0 $0x1C03  }
0x5e: {  	[timem:s3], [sflag:s2] =	dma.local @!p0 [hbm:s0], s1  }
0x5f: {  	s0 =	simm.s32 @!p0 $0x3  }
0x60: {  	_ =	swait.ge @!p0 [sflag:s0], s1  }
0x61: {  	s1 =	ssub.s32 @!p0 $0x0, s1;
	[sflag:s0] =	ssyncset.done @!p0 $0x0  }
0x62: {  	[sflag:s0] =	ssyncadd.s32 @!p0 s1  }
0x63: {  	[bflag:$0x3] =	sbarrier.arrive $0xFFFF  }
0x64: {  	_ =	shalt  }

</sc_bundles>
